<compile_context>
chip_gen: v7x
topology: tpu7x:2x2x1
jax: 0.10.2.dev20260603
libtpu: 0.0.44.dev20260713+nightly
codegen_flags: <defaults>
</compile_context>

<pallas_src>
import functools

import jax
import jax.numpy as jnp
from jax import lax
from jax.experimental import pallas as pl
from jax.experimental.pallas import tpu as pltpu
from jax.experimental.pallas import tpu_sc as plsc

HIDDEN = 256
B, L, NUM_SPANS = 4, 512, 256
LP = L + 8
NLANE = 16

_NC, _NS = 2, 16
NW = _NC * _NS
SPW = (B * NUM_SPANS) // NW
WPB = NUM_SPANS // SPW


def _prefix_kernel(h_ref, p_ref):
    hb = h_ref[0]
    row = lax.broadcasted_iota(jnp.int32, (LP, L), 0)
    col = lax.broadcasted_iota(jnp.int32, (LP, L), 1)
    tri = (col < row).astype(jnp.bfloat16)
    hi = hb.astype(jnp.bfloat16)
    lo = (hb - hi.astype(jnp.float32)).astype(jnp.bfloat16)
    dn = (((1,), (0,)), ((), ()))
    p_ref[0] = (
        lax.dot_general(tri, hi, dn, preferred_element_type=jnp.float32)
        + lax.dot_general(tri, lo, dn, preferred_element_type=jnp.float32)
    )


def _sc_body(p_hbm, se_hbm, es_out_hbm, idx_v, rows_v, sem):
    wid = lax.axis_index("s") * _NC + lax.axis_index("c")
    row_off = (wid // WPB) * LP

    pltpu.sync_copy(se_hbm.at[pl.ds(wid * 2 * SPW, 2 * SPW)], idx_v)
    for c in range(SPW // NLANE):
        ev = idx_v[pl.ds(c * NLANE, NLANE)]
        sv = idx_v[pl.ds(SPW + c * NLANE, NLANE)]
        idx_v[pl.ds(c * NLANE, NLANE)] = ev + (row_off + 1)
        idx_v[pl.ds(SPW + c * NLANE, NLANE)] = sv + row_off

    pltpu.async_copy(p_hbm.at[idx_v], rows_v, sem).wait()
    pltpu.sync_copy(rows_v, es_out_hbm.at[pl.ds(wid * 2 * SPW, 2 * SPW)])


def _mlp_kernel(e_ref, s_ref, len_ref, w1_ref, b1_ref, w2_ref, b2_ref, out_ref):
    e = jnp.reshape(e_ref[...], (B * NUM_SPANS, HIDDEN))
    s = jnp.reshape(s_ref[...], (B * NUM_SPANS, HIDDEN))
    reps = (e - s) * (1.0 / len_ref[...].astype(jnp.float32))
    x = lax.dot_general(
        reps, w1_ref[...], (((1,), (0,)), ((), ())),
        precision=lax.Precision.DEFAULT,
        preferred_element_type=jnp.float32,
    )
    x = jnp.maximum(x + b1_ref[...], 0.0)
    out = lax.dot_general(
        x, w2_ref[...], (((1,), (0,)), ((), ())),
        precision=lax.Precision.DEFAULT,
        preferred_element_type=jnp.float32,
    )
    out_ref[...] = out + b2_ref[...]


def kernel(h, span_idx, W1, b1, W2, b2):
    span_idx = span_idx.astype(jnp.int32)
    starts = span_idx[:, :, 0].reshape(B * NUM_SPANS)
    ends = span_idx[:, :, 1].reshape(B * NUM_SPANS)
    se = jnp.concatenate(
        [ends.reshape(NW, SPW), starts.reshape(NW, SPW)], axis=1
    ).reshape(NW * 2 * SPW)

    prefix = pl.pallas_call(
        _prefix_kernel,
        grid=(B,),
        in_specs=[pl.BlockSpec((1, L, HIDDEN), lambda b: (b, 0, 0))],
        out_specs=pl.BlockSpec((1, LP, HIDDEN), lambda b: (b, 0, 0)),
        out_shape=jax.ShapeDtypeStruct((B, LP, HIDDEN), jnp.float32),
    )(h)
    p_flat = prefix.reshape(B * LP, HIDDEN)

    sc_gather = functools.partial(
        pl.kernel,
        mesh=plsc.VectorSubcoreMesh(core_axis_name="c", subcore_axis_name="s"),
        out_type=jax.ShapeDtypeStruct((NW * 2 * SPW, HIDDEN), jnp.float32),
        scratch_types=[
            pltpu.VMEM((2 * SPW,), jnp.int32),
            pltpu.VMEM((2 * SPW, HIDDEN), jnp.float32),
            pltpu.SemaphoreType.DMA,
        ],
    )(_sc_body)
    es_rows = sc_gather(p_flat, se).reshape(NW, 2 * SPW, HIDDEN)

    lengths = (ends - starts + 1).reshape(B * NUM_SPANS, 1)
    out = pl.pallas_call(
        _mlp_kernel,
        grid=(1,),
        in_specs=[
            pl.BlockSpec((NW, SPW, HIDDEN), lambda g: (0, 0, 0)),
            pl.BlockSpec((NW, SPW, HIDDEN), lambda g: (0, 1, 0)),
            pl.BlockSpec((B * NUM_SPANS, 1), lambda g: (0, 0)),
            pl.BlockSpec((HIDDEN, 4 * HIDDEN), lambda g: (0, 0)),
            pl.BlockSpec((1, 4 * HIDDEN), lambda g: (0, 0)),
            pl.BlockSpec((4 * HIDDEN, HIDDEN), lambda g: (0, 0)),
            pl.BlockSpec((1, HIDDEN), lambda g: (0, 0)),
        ],
        out_specs=pl.BlockSpec((B * NUM_SPANS, HIDDEN), lambda g: (0, 0)),
        out_shape=jax.ShapeDtypeStruct((B * NUM_SPANS, HIDDEN), jnp.float32),
    )(es_rows, es_rows, lengths, W1, b1.reshape(1, 4 * HIDDEN), W2, b2.reshape(1, HIDDEN))
    return out.reshape(B, NUM_SPANS, HIDDEN)

# --- scband reference (transcript-rebuilt; emitter-appended) ---
"""Pipeline reference for scband-span-marker-v2-73486890435173 (READ-ONLY COPY).

The authoritative reference and input builder live on the scoring server;
editing this copy changes nothing except your own understanding.
"""

import jax, jax.numpy as jnp
import numpy as np

HIDDEN = 256
B, L, NUM_SPANS = 4, 512, 256


def setup_inputs(seed: int = 0) -> dict:
    key = jax.random.key(seed)
    k_h, k_s, k_w1, k_b1, k_w2, k_b2 = jax.random.split(key, 6)
    h = jax.random.normal(k_h, (B, L, HIDDEN), dtype=jnp.float32)
    # span_idx: sorted pairs so end >= start, values in [0, L)
    span_idx = jnp.sort(jax.random.randint(k_s, (B, NUM_SPANS, 2), 0, L, dtype=jnp.int64), axis=-1)
    # projection layer params: Linear(D, 4D) -> ReLU -> Dropout(eval: identity) -> Linear(4D, D)
    W1 = jax.random.normal(k_w1, (HIDDEN, 4 * HIDDEN), dtype=jnp.float32) * (1.0 / np.sqrt(HIDDEN))
    b1 = jnp.zeros((4 * HIDDEN,), dtype=jnp.float32)
    W2 = jax.random.normal(k_w2, (4 * HIDDEN, HIDDEN), dtype=jnp.float32) * (1.0 / np.sqrt(4 * HIDDEN))
    b2 = jnp.zeros((HIDDEN,), dtype=jnp.float32)
    return {"h": h, "span_idx": span_idx, "W1": W1, "b1": b1, "W2": W2, "b2": b2}


def reference(h, span_idx, W1, b1, W2, b2):
    Bb, Ll, D = h.shape
    num_spans = span_idx.shape[1]
    lengths = span_idx[:, :, 1] - span_idx[:, :, 0] + 1  # [B, num_spans]
    max_span_length = Ll
    position_offsets = jnp.arange(max_span_length)[None, None, :]  # [1,1,S]
    start_positions = span_idx[:, :, 0][:, :, None]  # [B, num_spans, 1]
    positions = start_positions + position_offsets  # [B, num_spans, S]
    span_mask = position_offsets < lengths[:, :, None]  # bool [B, num_spans, S]
    positions = positions * span_mask.astype(positions.dtype)
    positions = jnp.clip(positions, 0, Ll - 1)
    positions_flat = positions.reshape(Bb, num_spans * max_span_length)
    # gather: equivalent to torch expand+gather (same math, no materialized expand)
    gathered = jnp.take_along_axis(h, positions_flat[:, :, None], axis=1)
    gathered = gathered.reshape(Bb, num_spans, max_span_length, D)
    mask_f = span_mask.astype(jnp.float32)[:, :, :, None]
    sum_embeddings = jnp.sum(gathered * mask_f, axis=2)  # [B, num_spans, D]
    span_lengths = lengths.astype(jnp.float32)[:, :, None]
    span_reps = sum_embeddings / span_lengths
    # projection (dropout is identity in eval)
    x = span_reps @ W1 + b1
    x = jax.nn.relu(x)
    out = x @ W2 + b2
    return out


if False:  # reference __main__ guard neutralized (emitter)
    inp = setup_inputs()
    out = reference(**inp)
    print(out.shape)

if __name__ == "__main__":
    import jax
    _d = setup_inputs()
    print(jax.jit(kernel)(*tuple(_d.values())))

</pallas_src>

<mosaic_0001>
#map = affine_map<(d0, d1) -> (0, 0)>
#map1 = affine_map<(d0, d1) -> (0)>
module attributes {stable_mosaic.version = 14 : i64} {
  func.func @_sc_body(%arg0: i32, %arg1: i32, %arg2: memref<2080x256xf32, #tpu.memory_space<hbm>>, %arg3: memref<2048xi32, #tpu.memory_space<hbm>>, %arg4: memref<2048x256xf32, #tpu.memory_space<hbm>>, %arg5: memref<64xi32, #tpu.memory_space<vmem>>, %arg6: memref<64x256xf32, #tpu.memory_space<vmem>>, %arg7: memref<!tpu.dma_semaphore, #tpu.memory_space<semaphore_mem>>) attributes {dimension_semantics = [#tpu.dimension_semantics<core_parallel>, #tpu.dimension_semantics<subcore_parallel>], iteration_bounds = array<i64: 2, 16>, scalar_prefetch = 0 : i64, scratch_operands = 3 : i64, tpu.core_type = #tpu.core_type<sc_vector_subcore>, window_params = [{transform_indices = #map}, {transform_indices = #map1}, {transform_indices = #map}]} {
    %mul3A = arith.constant 2 : i32
    %mul3A_0 = arith.muli %arg1, %mul3A : i32
    %add3A = arith.addi %mul3A_0, %arg0 : i32
    %jit3A = arith.constant 8 : i32
    %div3A = arith.divsi %add3A, %jit3A : i32
    %sign3A = arith.constant 0 : i32
    %sign3A_1 = arith.cmpi sgt, %add3A, %sign3A : i32
    %sign3A_2 = arith.extui %sign3A_1 : i1 to i32
    %sign3A_3 = arith.constant 0 : i32
    %sign3A_4 = arith.cmpi slt, %add3A, %sign3A_3 : i32
    %sign3A_5 = arith.extui %sign3A_4 : i1 to i32
    %sign3A_6 = arith.subi %sign3A_2, %sign3A_5 : i32
    %sign3A_7 = arith.constant 0 : i32
    %sign3A_8 = arith.cmpi sgt, %jit3A, %sign3A_7 : i32
    %sign3A_9 = arith.extui %sign3A_8 : i1 to i32
    %sign3A_10 = arith.constant 0 : i32
    %sign3A_11 = arith.cmpi slt, %jit3A, %sign3A_10 : i32
    %sign3A_12 = arith.extui %sign3A_11 : i1 to i32
    %sign3A_13 = arith.subi %sign3A_9, %sign3A_12 : i32
    %ne3A = arith.cmpi ne, %sign3A_6, %sign3A_13 : i32
    %rem3A = arith.remsi %add3A, %jit3A : i32
    %ne3A_14 = arith.constant 0 : i32
    %ne3A_15 = arith.cmpi ne, %rem3A, %ne3A_14 : i32
    %and3A = arith.andi %ne3A, %ne3A_15 : i1
    %sub3A = arith.constant 1 : i32
    %sub3A_16 = arith.subi %div3A, %sub3A : i32
    %select_n3A = arith.select %and3A, %sub3A_16, %div3A : i32
    %mul3A_17 = arith.constant 520 : i32
    %mul3A_18 = arith.muli %select_n3A, %mul3A_17 : i32
    %mul3A_19 = arith.constant 2 : i32
    %mul3A_20 = arith.muli %add3A, %mul3A_19 : i32
    %mul3A_21 = arith.constant 32 : i32
    %mul3A_22 = arith.muli %mul3A_20, %mul3A_21 : i32
    "tpu.region"() ({
      %run_scoped3A = tpu.sem_alloc : memref<!tpu.dma_semaphore, #tpu.memory_space<semaphore_mem>>
      %dma_start3A_69 = tpu.memref_slice %arg3[%mul3A_22] : memref<2048xi32, #tpu.memory_space<hbm>> -> memref<64xi32, #tpu.memory_space<hbm>>
      %dma_start3A_70 = tpu.memref_slice %arg3[%mul3A_22] : memref<2048xi32, #tpu.memory_space<hbm>> -> memref<64xi32, #tpu.memory_space<hbm>>
      tpu.enqueue_dma source(%dma_start3A_70 : memref<64xi32, #tpu.memory_space<hbm>>) target(%arg5 : memref<64xi32, #tpu.memory_space<vmem>>) target_semaphore(%run_scoped3A : memref<!tpu.dma_semaphore, #tpu.memory_space<semaphore_mem>>)
      %dma_wait3A_71 = tpu.memref_slice %arg3[%mul3A_22] : memref<2048xi32, #tpu.memory_space<hbm>> -> memref<64xi32, #tpu.memory_space<hbm>>
      %dma_wait3A_72 = tpu.memref_slice %arg3[%mul3A_22] : memref<2048xi32, #tpu.memory_space<hbm>> -> memref<64xi32, #tpu.memory_space<hbm>>
      tpu.wait_dma2 semaphore(%run_scoped3A : memref<!tpu.dma_semaphore, #tpu.memory_space<semaphore_mem>>) src(%dma_wait3A_72 : memref<64xi32, #tpu.memory_space<hbm>>) dst(%arg5 : memref<64xi32, #tpu.memory_space<vmem>>)
      tpu.yield
    }) : () -> ()
    %get3A = arith.constant 0 : index
    %get3A_23 = tpu.vector_load %arg5[%get3A] {strides = array<i32>} : memref<64xi32, #tpu.memory_space<vmem>>, vector<16xi32>,
    %get3A_24 = vector.shape_cast %get3A_23 : vector<16xi32> to vector<16xi32>
    %get3A_25 = arith.constant 32 : index
    %get3A_26 = tpu.vector_load %arg5[%get3A_25] {strides = array<i32>} : memref<64xi32, #tpu.memory_space<vmem>>, vector<16xi32>,
    %get3A_27 = vector.shape_cast %get3A_26 : vector<16xi32> to vector<16xi32>
    %add3A_28 = arith.constant 1 : i32
    %add3A_29 = arith.addi %mul3A_18, %add3A_28 : i32
    %add3A_30 = vector.broadcast %add3A_29 : i32 to vector<16xi32>
    %add3A_31 = arith.addi %get3A_24, %add3A_30 : vector<16xi32>
    %swap3A = arith.constant 0 : index
    %swap3A_32 = tpu.vector_load %arg5[%swap3A] {strides = array<i32>} : memref<64xi32, #tpu.memory_space<vmem>>, vector<16xi32>,
    %swap3A_33 = vector.shape_cast %swap3A_32 : vector<16xi32> to vector<16xi32>
    %swap3A_34 = vector.shape_cast %add3A_31 : vector<16xi32> to vector<16xi32>
    tpu.vector_store %arg5[%swap3A], %swap3A_34 {strides = array<i32>} : memref<64xi32, #tpu.memory_space<vmem>>, vector<16xi32>,
    %add3A_35 = vector.broadcast %mul3A_18 : i32 to vector<16xi32>
    %add3A_36 = arith.addi %get3A_27, %add3A_35 : vector<16xi32>
    %swap3A_37 = arith.constant 32 : index
    %swap3A_38 = tpu.vector_load %arg5[%swap3A_37] {strides = array<i32>} : memref<64xi32, #tpu.memory_space<vmem>>, vector<16xi32>,
    %swap3A_39 = vector.shape_cast %swap3A_38 : vector<16xi32> to vector<16xi32>
    %swap3A_40 = vector.shape_cast %add3A_36 : vector<16xi32> to vector<16xi32>
    tpu.vector_store %arg5[%swap3A_37], %swap3A_40 {strides = array<i32>} : memref<64xi32, #tpu.memory_space<vmem>>, vector<16xi32>,
    %get3A_41 = arith.constant 16 : index
    %get3A_42 = tpu.vector_load %arg5[%get3A_41] {strides = array<i32>} : memref<64xi32, #tpu.memory_space<vmem>>, vector<16xi32>,
    %get3A_43 = vector.shape_cast %get3A_42 : vector<16xi32> to vector<16xi32>
    %get3A_44 = arith.constant 48 : index
    %get3A_45 = tpu.vector_load %arg5[%get3A_44] {strides = array<i32>} : memref<64xi32, #tpu.memory_space<vmem>>, vector<16xi32>,
    %get3A_46 = vector.shape_cast %get3A_45 : vector<16xi32> to vector<16xi32>
    %add3A_47 = arith.constant 1 : i32
    %add3A_48 = arith.addi %mul3A_18, %add3A_47 : i32
    %add3A_49 = vector.broadcast %add3A_48 : i32 to vector<16xi32>
    %add3A_50 = arith.addi %get3A_43, %add3A_49 : vector<16xi32>
    %swap3A_51 = arith.constant 16 : index
    %swap3A_52 = tpu.vector_load %arg5[%swap3A_51] {strides = array<i32>} : memref<64xi32, #tpu.memory_space<vmem>>, vector<16xi32>,
    %swap3A_53 = vector.shape_cast %swap3A_52 : vector<16xi32> to vector<16xi32>
    %swap3A_54 = vector.shape_cast %add3A_50 : vector<16xi32> to vector<16xi32>
    tpu.vector_store %arg5[%swap3A_51], %swap3A_54 {strides = array<i32>} : memref<64xi32, #tpu.memory_space<vmem>>, vector<16xi32>,
    %add3A_55 = vector.broadcast %mul3A_18 : i32 to vector<16xi32>
    %add3A_56 = arith.addi %get3A_46, %add3A_55 : vector<16xi32>
    %swap3A_57 = arith.constant 48 : index
    %swap3A_58 = tpu.vector_load %arg5[%swap3A_57] {strides = array<i32>} : memref<64xi32, #tpu.memory_space<vmem>>, vector<16xi32>,
    %swap3A_59 = vector.shape_cast %swap3A_58 : vector<16xi32> to vector<16xi32>
    %swap3A_60 = vector.shape_cast %add3A_56 : vector<16xi32> to vector<16xi32>
    tpu.vector_store %arg5[%swap3A_57], %swap3A_60 {strides = array<i32>} : memref<64xi32, #tpu.memory_space<vmem>>, vector<16xi32>,
    %dma_start3A = arith.constant 0 : i32
    %dma_start3A_61 = arith.constant 0 : i32
    %dma_start3A_62 = tpu.memref_slice %arg2[%dma_start3A, %dma_start3A_61] : memref<2080x256xf32, #tpu.memory_space<hbm>> -> memref<2080x256xf32, #tpu.memory_space<hbm>>
    tpu.enqueue_indirect_dma source(%dma_start3A_62 : memref<2080x256xf32, #tpu.memory_space<hbm>>) target(%arg6 : memref<64x256xf32, #tpu.memory_space<vmem>>) offsets(%arg5 : memref<64xi32, #tpu.memory_space<vmem>>) semaphore(%arg7 : memref<!tpu.dma_semaphore, #tpu.memory_space<semaphore_mem>>)
    %dma_wait3A = arith.constant 0 : i32
    %dma_wait3A_63 = arith.constant 0 : i32
    %dma_wait3A_64 = tpu.memref_slice %arg2[%dma_wait3A, %dma_wait3A_63] : memref<2080x256xf32, #tpu.memory_space<hbm>> -> memref<2080x256xf32, #tpu.memory_space<hbm>>
    tpu.wait_indirect_dma semaphore(%arg7 : memref<!tpu.dma_semaphore, #tpu.memory_space<semaphore_mem>>) src(%dma_wait3A_64 : memref<2080x256xf32, #tpu.memory_space<hbm>>) dst(%arg6 : memref<64x256xf32, #tpu.memory_space<vmem>>)
    %mul3A_65 = arith.constant 2 : i32
    %mul3A_66 = arith.muli %add3A, %mul3A_65 : i32
    %mul3A_67 = arith.constant 32 : i32
    %mul3A_68 = arith.muli %mul3A_66, %mul3A_67 : i32
    "tpu.region"() ({
      %run_scoped3A = tpu.sem_alloc : memref<!tpu.dma_semaphore, #tpu.memory_space<semaphore_mem>>
      %dma_start3A_69 = arith.constant 0 : i32
      %dma_start3A_70 = tpu.memref_slice %arg4[%mul3A_68, %dma_start3A_69] : memref<2048x256xf32, #tpu.memory_space<hbm>> -> memref<64x256xf32, #tpu.memory_space<hbm>>
      %dma_start3A_71 = arith.constant 0 : i32
      %dma_start3A_72 = tpu.memref_slice %arg4[%mul3A_68, %dma_start3A_71] : memref<2048x256xf32, #tpu.memory_space<hbm>> -> memref<64x256xf32, #tpu.memory_space<hbm>>
      tpu.enqueue_dma source(%arg6 : memref<64x256xf32, #tpu.memory_space<vmem>>) target(%dma_start3A_72 : memref<64x256xf32, #tpu.memory_space<hbm>>) target_semaphore(%run_scoped3A : memref<!tpu.dma_semaphore, #tpu.memory_space<semaphore_mem>>)
      %dma_wait3A_73 = arith.constant 0 : i32
      %dma_wait3A_74 = tpu.memref_slice %arg4[%mul3A_68, %dma_wait3A_73] : memref<2048x256xf32, #tpu.memory_space<hbm>> -> memref<64x256xf32, #tpu.memory_space<hbm>>
      %dma_wait3A_75 = arith.constant 0 : i32
      %dma_wait3A_76 = tpu.memref_slice %arg4[%mul3A_68, %dma_wait3A_75] : memref<2048x256xf32, #tpu.memory_space<hbm>> -> memref<64x256xf32, #tpu.memory_space<hbm>>
      tpu.wait_dma2 semaphore(%run_scoped3A : memref<!tpu.dma_semaphore, #tpu.memory_space<semaphore_mem>>) src(%arg6 : memref<64x256xf32, #tpu.memory_space<vmem>>) dst(%dma_wait3A_76 : memref<64x256xf32, #tpu.memory_space<hbm>>)
      tpu.yield
    }) : () -> ()
    return
  }
}

module attributes {stable_mosaic.version = 14 : i64} {
  func.func @_prefix_kernel(%arg0: i32, %arg1: memref<1x512x256xf32, #tpu.memory_space<vmem>>, %arg2: memref<1x520x256xf32, #tpu.memory_space<vmem>>) attributes {dimension_semantics = [#tpu.dimension_semantics<arbitrary>], iteration_bounds = array<i64: 4>, scalar_prefetch = 0 : i64, scratch_operands = 0 : i64, tpu.core_type = #tpu.core_type<tc>, window_params = [{transform_indices = @transform_0, window_bounds = array<i64: 1, 512, 256>}, {transform_indices = @transform_1, window_bounds = array<i64: 1, 520, 256>}]} {
    %get3A = arith.constant 0 : index
    %get3A_0 = arith.constant 0 : index
    %get3A_1 = arith.constant 0 : index
    %get3A_2 = vector.load %arg1[%get3A, %get3A_0, %get3A_1] : memref<1x512x256xf32, #tpu.memory_space<vmem>>, vector<1x512x256xf32>
    %get3A_3 = vector.shape_cast %get3A_2 : vector<1x512x256xf32> to vector<512x256xf32>
    %iota3A = tpu.iota {dimensions = array<i32: 0>} : vector<520x512xi32>
    %iota3A_4 = tpu.iota {dimensions = array<i32: 1>} : vector<520x512xi32>
    %lt3A = arith.cmpi slt, %iota3A_4, %iota3A : vector<520x512xi32>
    %convert_element_type3A = arith.extui %lt3A : vector<520x512xi1> to vector<520x512xi32>
    %convert_element_type3A_5 = arith.sitofp %convert_element_type3A : vector<520x512xi32> to vector<520x512xf32>
    %convert_element_type3A_6 = arith.truncf %convert_element_type3A_5 : vector<520x512xf32> to vector<520x512xbf16>
    %convert_element_type3A_7 = arith.truncf %get3A_3 : vector<512x256xf32> to vector<512x256xbf16>
    %convert_element_type3A_8 = arith.extf %convert_element_type3A_7 : vector<512x256xbf16> to vector<512x256xf32>
    %sub3A = arith.subf %get3A_3, %convert_element_type3A_8 : vector<512x256xf32>
    %convert_element_type3A_9 = arith.truncf %sub3A : vector<512x256xf32> to vector<512x256xbf16>
    %dot_general3A = arith.constant dense<0.000000e+00> : vector<520x256xf32>
    %dot_general3A_10 = tpu.matmul %convert_element_type3A_6, %convert_element_type3A_7, %dot_general3A {dimension_numbers = #tpu.dot_dimension_numbers<[1], [0], [0], [1], [0, 0, 1, 1], [], []>, transpose_lhs_hint = false} : vector<520x512xbf16>, vector<512x256xbf16>, vector<520x256xf32> -> vector<520x256xf32>
    %dot_general3A_11 = arith.constant dense<0.000000e+00> : vector<520x256xf32>
    %dot_general3A_12 = tpu.matmul %convert_element_type3A_6, %convert_element_type3A_9, %dot_general3A_11 {dimension_numbers = #tpu.dot_dimension_numbers<[1], [0], [0], [1], [0, 0, 1, 1], [], []>, transpose_lhs_hint = false} : vector<520x512xbf16>, vector<512x256xbf16>, vector<520x256xf32> -> vector<520x256xf32>
    %add3A = arith.addf %dot_general3A_10, %dot_general3A_12 : vector<520x256xf32>
    %swap3A = arith.constant 0 : index
    %swap3A_13 = arith.constant 0 : index
    %swap3A_14 = arith.constant 0 : index
    %swap3A_15 = vector.load %arg2[%swap3A, %swap3A_13, %swap3A_14] : memref<1x520x256xf32, #tpu.memory_space<vmem>>, vector<1x520x256xf32>
    %swap3A_16 = vector.shape_cast %swap3A_15 : vector<1x520x256xf32> to vector<520x256xf32>
    %swap3A_17 = vector.shape_cast %add3A : vector<520x256xf32> to vector<1x520x256xf32>
    tpu.vector_store %arg2[%swap3A, %swap3A_13, %swap3A_14], %swap3A_17 {strides = array<i32>} : memref<1x520x256xf32, #tpu.memory_space<vmem>>, vector<1x520x256xf32>,
    return
  }
  func.func @transform_0(%arg0: i32) -> (i32, i32, i32) {
    %c0_i32 = arith.constant 0 : i32
    %c0_i32_0 = arith.constant 0 : i32
    %c0_i32_1 = arith.constant 0 : i32
    return %arg0, %c0_i32, %c0_i32_0 : i32, i32, i32
  }
  func.func @transform_1(%arg0: i32) -> (i32, i32, i32) {
    %c0_i32 = arith.constant 0 : i32
    %c0_i32_0 = arith.constant 0 : i32
    %c0_i32_1 = arith.constant 0 : i32
    return %arg0, %c0_i32, %c0_i32_0 : i32, i32, i32
  }
}

module attributes {stable_mosaic.version = 14 : i64} {
  func.func @_mlp_kernel(%arg0: i32, %arg1: memref<32x32x256xf32, #tpu.memory_space<vmem>>, %arg2: memref<32x32x256xf32, #tpu.memory_space<vmem>>, %arg3: memref<1024x1xi32, #tpu.memory_space<vmem>>, %arg4: memref<256x1024xf32, #tpu.memory_space<vmem>>, %arg5: memref<1x1024xf32, #tpu.memory_space<vmem>>, %arg6: memref<1024x256xf32, #tpu.memory_space<vmem>>, %arg7: memref<1x256xf32, #tpu.memory_space<vmem>>, %arg8: memref<1024x256xf32, #tpu.memory_space<vmem>>) attributes {dimension_semantics = [#tpu.dimension_semantics<arbitrary>], iteration_bounds = array<i64: 1>, scalar_prefetch = 0 : i64, scratch_operands = 0 : i64, tpu.core_type = #tpu.core_type<tc>, window_params = [{transform_indices = @transform_0, window_bounds = array<i64: 32, 32, 256>}, {transform_indices = @transform_1, window_bounds = array<i64: 32, 32, 256>}, {pipeline_mode = #tpu.pipeline_mode<synchronous>, transform_indices = @transform_2, window_bounds = array<i64: 1024, 1>}, {pipeline_mode = #tpu.pipeline_mode<synchronous>, transform_indices = @transform_3, window_bounds = array<i64: 256, 1024>}, {pipeline_mode = #tpu.pipeline_mode<synchronous>, transform_indices = @transform_4, window_bounds = array<i64: 1, 1024>}, {pipeline_mode = #tpu.pipeline_mode<synchronous>, transform_indices = @transform_5, window_bounds = array<i64: 1024, 256>}, {pipeline_mode = #tpu.pipeline_mode<synchronous>, transform_indices = @transform_6, window_bounds = array<i64: 1, 256>}, {pipeline_mode = #tpu.pipeline_mode<synchronous>, transform_indices = @transform_7, window_bounds = array<i64: 1024, 256>}]} {
    %get3A = arith.constant 0 : index
    %get3A_0 = arith.constant 0 : index
    %get3A_1 = arith.constant 0 : index
    %get3A_2 = vector.load %arg1[%get3A, %get3A_0, %get3A_1] : memref<32x32x256xf32, #tpu.memory_space<vmem>>, vector<32x32x256xf32>
    %reshape3A = vector.shape_cast %get3A_2 : vector<32x32x256xf32> to vector<1024x256xf32>
    %get3A_3 = arith.constant 0 : index
    %get3A_4 = arith.constant 0 : index
    %get3A_5 = arith.constant 0 : index
    %get3A_6 = vector.load %arg2[%get3A_3, %get3A_4, %get3A_5] : memref<32x32x256xf32, #tpu.memory_space<vmem>>, vector<32x32x256xf32>
    %reshape3A_7 = vector.shape_cast %get3A_6 : vector<32x32x256xf32> to vector<1024x256xf32>
    %sub3A = arith.subf %reshape3A, %reshape3A_7 : vector<1024x256xf32>
    %get3A_8 = arith.constant 0 : index
    %get3A_9 = arith.constant 0 : index
    %get3A_10 = vector.load %arg3[%get3A_8, %get3A_9] : memref<1024x1xi32, #tpu.memory_space<vmem>>, vector<1024x1xi32>
    %convert_element_type3A = arith.sitofp %get3A_10 : vector<1024x1xi32> to vector<1024x1xf32>
    %div3A = arith.constant 1.000000e+00 : f32
    %div3A_11 = vector.broadcast %div3A : f32 to vector<1024x1xf32>
    %div3A_12 = arith.divf %div3A_11, %convert_element_type3A : vector<1024x1xf32>
    %mul3A = vector.broadcast %div3A_12 : vector<1024x1xf32> to vector<1024x256xf32>
    %mul3A_13 = arith.mulf %sub3A, %mul3A : vector<1024x256xf32>
    %get3A_14 = arith.constant 0 : index
    %get3A_15 = arith.constant 0 : index
    %get3A_16 = vector.load %arg4[%get3A_14, %get3A_15] : memref<256x1024xf32, #tpu.memory_space<vmem>>, vector<256x1024xf32>
    %dot_general3A = arith.constant dense<0.000000e+00> : vector<1024x1024xf32>
    %dot_general3A_17 = tpu.matmul %mul3A_13, %get3A_16, %dot_general3A {dimension_numbers = #tpu.dot_dimension_numbers<[1], [0], [0], [1], [0, 0, 1, 1], [], []>, transpose_lhs_hint = false} : vector<1024x256xf32>, vector<256x1024xf32>, vector<1024x1024xf32> -> vector<1024x1024xf32>
    %get3A_18 = arith.constant 0 : index
    %get3A_19 = arith.constant 0 : index
    %get3A_20 = vector.load %arg5[%get3A_18, %get3A_19] : memref<1x1024xf32, #tpu.memory_space<vmem>>, vector<1x1024xf32>
    %add3A = vector.broadcast %get3A_20 : vector<1x1024xf32> to vector<1024x1024xf32>
    %add3A_21 = arith.addf %dot_general3A_17, %add3A : vector<1024x1024xf32>
    %max3A = arith.constant 0.000000e+00 : f32
    %max3A_22 = vector.broadcast %max3A : f32 to vector<1024x1024xf32>
    %max3A_23 = arith.maximumf %add3A_21, %max3A_22 : vector<1024x1024xf32>
    %get3A_24 = arith.constant 0 : index
    %get3A_25 = arith.constant 0 : index
    %get3A_26 = vector.load %arg6[%get3A_24, %get3A_25] : memref<1024x256xf32, #tpu.memory_space<vmem>>, vector<1024x256xf32>
    %dot_general3A_27 = arith.constant dense<0.000000e+00> : vector<1024x256xf32>
    %dot_general3A_28 = tpu.matmul %max3A_23, %get3A_26, %dot_general3A_27 {dimension_numbers = #tpu.dot_dimension_numbers<[1], [0], [0], [1], [0, 0, 1, 1], [], []>, transpose_lhs_hint = false} : vector<1024x1024xf32>, vector<1024x256xf32>, vector<1024x256xf32> -> vector<1024x256xf32>
    %get3A_29 = arith.constant 0 : index
    %get3A_30 = arith.constant 0 : index
    %get3A_31 = vector.load %arg7[%get3A_29, %get3A_30] : memref<1x256xf32, #tpu.memory_space<vmem>>, vector<1x256xf32>
    %add3A_32 = vector.broadcast %get3A_31 : vector<1x256xf32> to vector<1024x256xf32>
    %add3A_33 = arith.addf %dot_general3A_28, %add3A_32 : vector<1024x256xf32>
    %swap3A = arith.constant 0 : index
    %swap3A_34 = arith.constant 0 : index
    %swap3A_35 = vector.load %arg8[%swap3A, %swap3A_34] : memref<1024x256xf32, #tpu.memory_space<vmem>>, vector<1024x256xf32>
    tpu.vector_store %arg8[%swap3A, %swap3A_34], %add3A_33 {strides = array<i32>} : memref<1024x256xf32, #tpu.memory_space<vmem>>, vector<1024x256xf32>,
    return
  }
  func.func @transform_0(%arg0: i32) -> (i32, i32, i32) {
    %c0_i32 = arith.constant 0 : i32
    %c0_i32_0 = arith.constant 0 : i32
    %c0_i32_1 = arith.constant 0 : i32
    %c0_i32_2 = arith.constant 0 : i32
    return %c0_i32, %c0_i32_0, %c0_i32_1 : i32, i32, i32
  }
  func.func @transform_1(%arg0: i32) -> (i32, i32, i32) {
    %c0_i32 = arith.constant 0 : i32
    %c1_i32 = arith.constant 1 : i32
    %c0_i32_0 = arith.constant 0 : i32
    %c0_i32_1 = arith.constant 0 : i32
    return %c0_i32, %c1_i32, %c0_i32_0 : i32, i32, i32
  }
  func.func @transform_2(%arg0: i32) -> (i32, i32) {
    %c0_i32 = arith.constant 0 : i32
    %c0_i32_0 = arith.constant 0 : i32
    %c0_i32_1 = arith.constant 0 : i32
    return %c0_i32, %c0_i32_0 : i32, i32
  }
  func.func @transform_3(%arg0: i32) -> (i32, i32) {
    %c0_i32 = arith.constant 0 : i32
    %c0_i32_0 = arith.constant 0 : i32
    %c0_i32_1 = arith.constant 0 : i32
    return %c0_i32, %c0_i32_0 : i32, i32
  }
  func.func @transform_4(%arg0: i32) -> (i32, i32) {
    %c0_i32 = arith.constant 0 : i32
    %c0_i32_0 = arith.constant 0 : i32
    %c0_i32_1 = arith.constant 0 : i32
    return %c0_i32, %c0_i32_0 : i32, i32
  }
  func.func @transform_5(%arg0: i32) -> (i32, i32) {
    %c0_i32 = arith.constant 0 : i32
    %c0_i32_0 = arith.constant 0 : i32
    %c0_i32_1 = arith.constant 0 : i32
    return %c0_i32, %c0_i32_0 : i32, i32
  }
  func.func @transform_6(%arg0: i32) -> (i32, i32) {
    %c0_i32 = arith.constant 0 : i32
    %c0_i32_0 = arith.constant 0 : i32
    %c0_i32_1 = arith.constant 0 : i32
    return %c0_i32, %c0_i32_0 : i32, i32
  }
  func.func @transform_7(%arg0: i32) -> (i32, i32) {
    %c0_i32 = arith.constant 0 : i32
    %c0_i32_0 = arith.constant 0 : i32
    %c0_i32_1 = arith.constant 0 : i32
    return %c0_i32, %c0_i32_0 : i32, i32
  }
}

</mosaic_0001>

<sc_bundles>
// kernel: kernel.5.cloned.1.call-start
scs
__scs_entry_jumppad:
0x0: {  	(pc) =	sbr.rel $0x88, $3  }
0x1: {  	(tag) =	ssettag $0x0;
	lr =	simm.s32 $0x1  }
0x2: {  	[smem:$0x3F9B] =	sst lr;
	_ =	strace $0xD0000000  }
0x3: {  	_ = 	snop  }
0x4: {  	_ = 	snop  }
0x5: {  	_ = 	snop  }
0x6: {  	_ = 	snop  }
0x7: {  	_ = 	snop  }
__scs_overlays_trampoline_lowered:
0x8: {  	[smem:$0x3FAA] =	sst s0  }
0x9: {  	[smem:$0x3FAB] =	sst s1  }
0xa: {  	[smem:$0x3FAC] =	sst s2  }
0xb: {  	[smem:$0x3FAD] =	sst s3  }
0xc: {  	[smem:$0x3FAE] =	sst s4  }
0xd: {  	[smem:$0x3FAF] =	sst s5  }
0xe: {  	[smem:$0x3FB0] =	sst s6  }
0xf: {  	[smem:$0x3FB1] =	sst s7  }
0x10: {  	[smem:$0x3FB2] =	sst s8  }
0x11: {  	[smem:$0x3FB3] =	sst s9;
	s0 =	simm.s32 @!p0 $0x0  }
0x12: {  	s1 =	sld [smem:$0x3F99];
	s0 =	simm.s32 @p0 $0x1  }
0x13: {  	[smem:$0x3FB4] =	sst s0;
	s0 =	simm.s32 @!p1 $0x0  }
0x14: {  	s2 =	sld [smem:$0x3F98];
	s0 =	simm.s32 @p1 $0x1  }
0x15: {  	[smem:$0x3FB5] =	sst s0;
	s0 =	simm.s32 @!p2 $0x0  }
0x16: {  	s3 =	sld [smem:$0x3FDB];
	s0 =	simm.s32 @p2 $0x1  }
0x17: {  	s4 =	simm.s32 $0x1BF5;
	[smem:$0x3FB7] =	sst s0  }
0x18: {  	s0 =	sld [smem:$0x3F9A];
	_ =	swait.ge [sflag:s4], $0x0  }
0x19: {  	s7 =	sld [smem:$0x3F9B]  }
0x1a: {  	s8 =	sadd.s32 $0xFFFFE003, lr  }
0x1b: {  	s9 =	sadd.s32 $0xFFFFFEF7, lr;
	s5 =	simm.s32 $0xFFFFFFFF;
	p2 =	slt.u32 s8, $0xFFFFF086  }
0x1c: {  	p1 =	slt.u32 s9, $0xF7A;
	s5 =	simm.s32 @!p2 $0x0  }
0x1d: {  	s5 =	simm.s32 @p1 $0x1;
	p0 =	seq.s32 s7, s2  }
0x1e: {  	s7 =	smul.u32 @!p0 $0xF7A, s2;
	p2 =	seq.s32 @!p0 s5, $0x0  }
0x1f: {  	s9 =	smul.u32 $0xF7A, s1;
	s8 =	simm.s32 @!p0 $0x1BF5;
	p2 =	por !p2, p0  }
0x20: {  	[sflag:s8] =	ssyncset.s32 @!p0 $0xFFFFF086;
	s6 =	sadd.s32 @!p0 s3, s7;
	s7 =	simm.s32 @!p0 $0x108  }
0x21: {  	s3 =	sadd.s32 s3, s9;
	s6 =	sadd.s32 @!p0 $0x88, s6;
	s7 =	simm.s32 @p2 $0x1082  }
0x22: {  	[simem:s7], [sflag:s8] =	dma.local @!p0 [hbm:s6], $0xF7A  }
0x23: {  	s9 =	sor.u32 $0xD0000000, s2;
	s6 =	simm.s32 $0x108;
	_ =	swait.ge @!p0 [sflag:s8], $0x0  }
0x24: {  	s3 =	sadd.s32 $0x88, s3;
	s6 =	simm.s32 @!p1 $0x1082;
	[sflag:s4] =	ssyncset.s32 $0xFFFFF086  }
0x25: {  	[simem:s6], [sflag:s4] =	dma.local [hbm:s3], $0xF7A  }
0x26: {  	[smem:$0x3F9B] =	sst s1;
	(tag) =	ssettag s2;
	_ =	strace s9  }
0x27: {  	s1 =	sld [smem:$0x3FAB]  }
0x28: {  	s2 =	sld [smem:$0x3FAC]  }
0x29: {  	s4 =	sld [smem:$0x3FAE]  }
0x2a: {  	p0 =	seq.s32 s5, $0x0;
	s5 =	sld [smem:$0x3FAF]  }
0x2b: {  	s6 =	sld [smem:$0x3FB0]  }
0x2c: {  	s7 =	sld [smem:$0x3FB1]  }
0x2d: {  	s3 =	simm.s32 $0x108;
	s8 =	sld [smem:$0x3FB2]  }
0x2e: {  	s3 =	simm.s32 @!p0 $0x1082;
	s9 =	sld [smem:$0x3FB3]  }
0x2f: {  	lr =	sadd.s32 s0, s3;
	s0 =	sld [smem:$0x3FAA]  }
0x30: {  	s3 =	sld [smem:$0x3FAD]  }
0x31: {  	[smem:$0x3FB6] =	sst s10  }
0x32: {  	s10 =	sld [smem:$0x3FB4];
	_ =	sdelay $0x3  }
0x33: {  	p0 =	seq.s32 s10, $0x1;
	s10 =	sld [smem:$0x3FB6];
	_ =	sdelay $0x3  }
0x34: {  	[smem:$0x3FB6] =	sst s10  }
0x35: {  	s10 =	sld [smem:$0x3FB5];
	_ =	sdelay $0x3  }
0x36: {  	p1 =	seq.s32 s10, $0x1;
	s10 =	sld [smem:$0x3FB6];
	_ =	sdelay $0x3  }
0x37: {  	[smem:$0x3FB6] =	sst s10  }
0x38: {  	s10 =	sld [smem:$0x3FB7]  }
0x39: {  	_ = 	snop;
	(pc) =	sbr.ind lr, $3  }
0x3a: {  	_ = 	snop  }
0x3b: {  	_ = 	snop  }
0x3c: {  	p2 =	seq.s32 s10, $0x1;
	s10 =	sld [smem:$0x3FB6]  }
0x3d: {  	_ =	shalt  }
0x3e: {  	_ =	shalt  }
0x3f: {  	_ =	shalt  }
0x40: {  	_ =	shalt  }
0x41: {  	_ =	shalt  }
0x42: {  	_ =	shalt  }
0x43: {  	_ =	shalt  }
0x44: {  	_ =	shalt  }
0x45: {  	_ =	shalt  }
0x46: {  	_ =	shalt  }
0x47: {  	_ =	shalt  }
0x48: {  	_ =	shalt  }
0x49: {  	_ =	shalt  }
0x4a: {  	_ =	shalt  }
0x4b: {  	_ =	shalt  }
0x4c: {  	_ =	shalt  }
0x4d: {  	_ =	shalt  }
0x4e: {  	_ =	shalt  }
0x4f: {  	_ =	shalt  }
0x50: {  	_ =	shalt  }
0x51: {  	_ =	shalt  }
0x52: {  	_ =	shalt  }
0x53: {  	_ =	shalt  }
0x54: {  	_ =	shalt  }
0x55: {  	_ =	shalt  }
0x56: {  	_ =	shalt  }
0x57: {  	_ =	shalt  }
0x58: {  	_ =	shalt  }
0x59: {  	_ =	shalt  }
0x5a: {  	_ =	shalt  }
0x5b: {  	_ =	shalt  }
0x5c: {  	_ =	shalt  }
0x5d: {  	_ =	shalt  }
0x5e: {  	_ =	shalt  }
0x5f: {  	_ =	shalt  }
0x60: {  	_ =	shalt  }
0x61: {  	_ =	shalt  }
0x62: {  	_ =	shalt  }
0x63: {  	_ =	shalt  }
0x64: {  	_ =	shalt  }
0x65: {  	_ =	shalt  }
0x66: {  	_ =	shalt  }
0x67: {  	_ =	shalt  }
0x68: {  	_ =	shalt  }
0x69: {  	_ =	shalt  }
0x6a: {  	_ =	shalt  }
0x6b: {  	_ =	shalt  }
0x6c: {  	_ =	shalt  }
0x6d: {  	_ =	shalt  }
0x6e: {  	_ =	shalt  }
0x6f: {  	_ =	shalt  }
0x70: {  	_ =	shalt  }
0x71: {  	_ =	shalt  }
0x72: {  	_ =	shalt  }
0x73: {  	_ =	shalt  }
0x74: {  	_ =	shalt  }
0x75: {  	_ =	shalt  }
0x76: {  	_ =	shalt  }
0x77: {  	_ =	shalt  }
0x78: {  	_ =	shalt  }
0x79: {  	_ =	shalt  }
0x7a: {  	_ =	shalt  }
0x7b: {  	_ =	shalt  }
0x7c: {  	_ =	shalt  }
0x7d: {  	_ =	shalt  }
0x7e: {  	_ =	shalt  }
0x7f: {  	_ =	shalt  }
0x80: {  	_ =	shalt  }
0x81: {  	_ =	shalt  }
0x82: {  	_ =	shalt  }
0x83: {  	_ =	shalt  }
0x84: {  	_ =	shalt  }
0x85: {  	_ =	shalt  }
0x86: {  	_ =	shalt  }
0x87: {  	_ =	shalt  }
.Lfunc_end0:
.L_simem_size_0:
called_computation_lowered:
.L_overlay_start_0:
0x88: {  	s2 =	sld [smem:$0x3FD9]  }
0x89: {  	s3 =	sld [smem:$0x3FFE];
	_ =	sdelay $0x1  }
0x8a: {  	s1 =	srdreg.scid  }
0x8b: {  	s0 =	sand.u32 $0x1, s1  }
0x8c: {  	s17 =	sshll.u32 s0, $0xA;
	s2 =	sadd.s32 s3, s2  }
0x8d: {  	s2 =	sadd.s32 s2, s17  }
0x8e: {  	[smem:$0x3FC2] =	sst s2  }
0x8f: {  	_ = 	snop  }
0x90: {  	s2 =	sld [smem:$0x3FD0];
	(tm) =	ssettm $0x1  }
0x91: {  	s18 =	sld [smem:$0x3FFB];
	_ =	sdelay $0x3  }
0x92: {  	_ =	strace s18  }
0x93: {  	s3 =	sld [smem:$0x3FFC];
	_ =	sdelay $0x3  }
0x94: {  	_ =	strace s3  }
0x95: {  	s3 =	sld [smem:$0x3FFD];
	_ =	sdelay $0x3  }
0x96: {  	_ =	strace s3  }
0x97: {  	_ =	strace $0x8FFFFFFF  }
0x98: {  	s19 =	sld [smem:$0x3FDB];
	_ =	sdelay $0x1  }
0x99: {  	s4 =	simm.s32 $_scs_section_size  }
0x9a: {  	s5 =	simm.s32 $_size__tile_overlayer_lowered;
	s6 =	simm.s32 $_tile_overlayer_lowered  }
0x9b: {  	s22 =	simm.s32 $0x1BFF;
	s21 =	sshll.u32 s6, $0x1;
	s3 =	sadd.s32 s4, s19  }
0x9c: {  	s7 =	simm.s32 $0x0;
	s20 =	sshll.u32 s5, $0x1;
	s5 =	sadd.s32 s21, s3  }
0x9d: {  	[timem:s7], [sflag:s22] =	dma.local [hbm:s5], s20  }
0x9e: {  	_ =	swait.ge [sflag:s22], s20  }
0x9f: {  	s4 =	ssub.s32 $0x0, s20;
	[sflag:s22] =	ssyncset.done $0x0  }
0xa0: {  	[sflag:s22] =	ssyncadd.s32 s4;
	_ =	sdelay $0x1  }
0xa1: {  	s23 =	simm.s32 $0x1B8B  }
0xa2: {  	_ =	swait.ge [sflag:s23], $0x1  }
0xa3: {  	[sflag:s23] =	ssyncset.done $0x0  }
0xa4: {  	s25 =	simm.s32 $0x1B8E;
	s24 =	sld [smem:$0x3FFE];
	[sflag:s23] =	ssyncadd.s32 $0xFFFFFFFF  }
0xa5: {  	s26 =	simm.s32 $execute0_lowered;
	[smem:$0x3FD2] =	sst s25  }
0xa6: {  	s5 =	sshll.u32 s26, $0x1;
	_ =	strace $0x80000046;
	[dreg:$0x1] =	wrdreg $0xFFFFFFFF  }
0xa7: {  	s28 =	simm.s32 $_size_execute0_lowered;
	s3 =	sadd.s32 s3, s5;
	[dreg:$0x0] =	wrdreg $0x0  }
0xa8: {  	s5 =	sshll.u32 s28, $0x1;
	[dreg:$0x2] =	wrdreg s3  }
0xa9: {  	[dreg:$0x3] =	wrdreg s5  }
0xaa: {  	[dreg:$0x4] =	wrdreg $0xC0  }
0xab: {  	_ =	task [dreg:s7], $0x5FFFF  }
0xac: {  	[dreg:$0x1] =	wrdreg $0xFFFFFFFF  }
0xad: {  	[dreg:$0x0] =	wrdreg $0x60  }
0xae: {  	[dreg:$0x2] =	wrdreg s24  }
0xaf: {  	[dreg:$0x3] =	wrdreg s2  }
0xb0: {  	[dreg:$0x4] =	wrdreg $0x9  }
0xb1: {  	_ =	task.clear_ibuf [dreg:s7], $0x5FFFF;
	_ =	strace $0x90000046  }
0xb2: {  	s29 =	simm.s32 $0x9;
	_ =	strace $0x80000048  }
0xb3: {  	_ =	swait.ge [sflag:s29], $0x1  }
0xb4: {  	[sflag:s29] =	ssyncadd.s32 $0xFFFFFFFF  }
0xb5: {  	_ =	strace $0x90000048  }
0xb6: {  	_ =	sfence  }
0xb7: {  	s30 =	sld [smem:$0x0];
	_ =	sdelay $0x2  }
0xb8: {  	s31 =	sshll.u32 s1, $0xD;
	s1 =	sshrl.u32 s1, $0x2  }
0xb9: {  	s3 =	sand.u32 $0x4000, s31;
	s1 =	sadd.s32 s1, s30  }
0xba: {  	s0 =	sor.u32 s3, s0;
	s1 =	sshll.u32 s1, $0x11  }
0xbb: {  	s0 =	sor.u32 s1, s0  }
0xbc: {  	s0 =	sadd.s32 $0x8F2B, s0  }
0xbd: {  	[sflag:s0] =	ssyncadd.remote.s32 $0x1  }
0xbe: {  	_ =	sfence.sel $0xFFFF  }
0xbf: {  	[dreg:$0x0] =	wrdreg $0xFFFFFFFF;
	(pc) =	sbr.abs _section_cstart, $3  }
0xc0: {  	[dreg:$0x1] =	wrdreg $0xFFFFFFFF  }
0xc1: {  	_ =	task.clear_ibuf [dreg:s7], $0x2FFFF;
	_ =	strace $0x9FFFFFFF  }
0xc2: {  	(tm) =	ssettm $0x7FFFFFFF  }
0xc3: {  	_ =	shalt  }
tec
execute0_lowered:
.L_overlay_start_1:
0x0: {  	(tag) =	ssettag $0x1  }
0x1: {  	s4 =	rddreg [dreg:$0x0]  }
0x2: {  	s5 =	rddreg [dreg:$0x1]  }
0x3: {  	s0 =	rddreg [dreg:$0x2];
	s2 =	simm.s32 $0x0  }
0x4: {  	s3 =	srdreg.scid;
	s1 =	stileid.u32;
	s10 =	simm.s32 $0x1080  }
0x5: {  	s12 =	simm.s32 $0x2080;
	s13 =	simm.s32 $0x2880;
	s14 =	simm.s32 $0x3080  }
0x6: {  	s15 =	simm.s32 $0x3880;
	s16 =	simm.s32 $0x1;
	[smem:$0x7FF] =	sst s2  }
0x7: {  	s6 =	sand.u32 $0x1, s3;
	s7 =	sshll.u32 s1, $0x1;
	s3 =	sadd.s32 $0xA00, s4  }
0x8: {  	s8 =	sshrl.u32 s1, $0x2;
	_ =	strace $0x80000047;
	s7 =	sor.u32 s6, s7  }
0x9: {  	s6 =	ssub.s32 $0x2, s6;
	s11 =	smul.u32 $0x208, s8;
	s8 =	simm.s32 $0x80  }
0xa: {  	s9 =	sshll.u32 s7, $0xB;
	s30 =	sshrl.u32 s6, $0x1;
	s7 =	sshll.u32 s7, $0x3  }
0xb: {  	v4 =	vlaneseq.u32;
	vm0 =	vmmov $0xffff;
	s29 =	sadd.s32 s9, s4;
	s6 =	ssub.s32 s6, s30;
	s4 =	sadd.s32 s5, s7  }
0xc: {  	v2 =	vand.u32 $0x7, v4;
	v3 =	vshrl.u32 v4, $0x3;
	v4 =	vor.u32 $0x8, v4;
	s31 =	sor.u32 $0x1, s11;
	s7 =	simm.s32 $0x2;
	s9 =	simm.s32 $0x880  }
0xd: {  	v3 =	vmul.u32 $0x8, v3;
	v1 =	vmov s11;
	s11 =	simm.s32 $0x1880;
	s5 =	sadd.s32 $0x10E00, s29;
	s6 =	smax.u32 s6, $0x1;
	v0 =	vmov s31  }
.LBB2_1:
0xe: {  	[tilespmem:s2], [sflag:$0x2] =	stream.linear.gather [hbm4b:s4+s2], $0x40, $0x38;
	[tilespmem:$0x4080] =	vst v63  }
0xf: {  	_ =	swait.ge [sflag:s7], $0x40  }
0x10: {  	[sflag:s7] =	ssyncset.done $0x0  }
0x11: {  	[sflag:s7] =	ssyncadd.s32 $0xFFFFFFC0  }
0x12: {  	v5 =	vld [tilespmem:$0x0];
	_ =	sdelay $0x4  }
0x13: {  	v5 =	vadd.s32 v0, v5  }
0x14: {  	v6 =	vshll.u32 v5, $0x1  }
0x15: {  	v7 =	vld [tilespmem:$0x20];
	v8 =	vand.u32 $0x7, v5;
	v6 =	vand.u32 $0xFFFFFFF0, v6  }
0x16: {  	v9 =	vld [tilespmem:$0x10];
	v6 =	vor.u32 v8, v6  }
0x17: {  	v63 =	vld [tilespmem:$0x30];
	v10 =	vperm.xlane v6, v2;
	_ =	sdelay $0x1  }
0x18: {  	v6 =	vperm.xlane v6, v4;
	v10 =	vadd.s32 v3, v10  }
0x19: {  	[tilespmem:$0x0] =	vst v5;
	v5 =	vadd.s32 v1, v7  }
0x1a: {  	[tilespmem:$0x20] =	vst v5;
	v5 =	vadd.s32 v0, v9;
	v6 =	vadd.s32 v3, v6  }
0x1b: {  	[tilespmem:$0x10] =	vst v5;
	v5 =	vadd.s32 v1, v63  }
0x1c: {  	[tilespmem:$0x30] =	vst v5  }
0x1d: {  	[tilespmem:s8], [sflag:$0x1] =	stream.indirect_vreg.gather [hbm4b:s3+s2], $0x80, v10, vm0, $0xb8;
	[tilespmem:$0x4080] =	vst v63  }
0x1e: {  	_ = 	snop  }
0x1f: {  	[tilespmem:s9], [sflag:$0x1] =	stream.indirect_vreg.gather [hbm4b:s3+s2], $0x80, v6, vm0, $0xb8;
	[tilespmem:$0x4080] =	vst v63  }
0x20: {  	v5 =	vld [tilespmem:$0x10];
	_ =	sdelay $0x4  }
0x21: {  	v6 =	vshll.u32 v5, $0x1  }
0x22: {  	v5 =	vand.u32 $0x7, v5;
	v6 =	vand.u32 $0xFFFFFFF0, v6  }
0x23: {  	v5 =	vor.u32 v5, v6  }
0x24: {  	v6 =	vperm.xlane v5, v2;
	_ =	sdelay $0x1  }
0x25: {  	v5 =	vperm.xlane v5, v4;
	v6 =	vadd.s32 v3, v6;
	_ =	sdelay $0x1  }
0x26: {  	v5 =	vadd.s32 v3, v5;
	_ =	sdelay $0x2  }
0x27: {  	[tilespmem:s10], [sflag:$0x1] =	stream.indirect_vreg.gather [hbm4b:s3+s2], $0x80, v6, vm0, $0xb8;
	[tilespmem:$0x4080] =	vst v63  }
0x28: {  	_ = 	snop  }
0x29: {  	[tilespmem:s11], [sflag:$0x1] =	stream.indirect_vreg.gather [hbm4b:s3+s2], $0x80, v5, vm0, $0xb8;
	[tilespmem:$0x4080] =	vst v63  }
0x2a: {  	v5 =	vld [tilespmem:$0x20];
	_ =	sdelay $0x4  }
0x2b: {  	v6 =	vshll.u32 v5, $0x1  }
0x2c: {  	v5 =	vand.u32 $0x7, v5;
	v6 =	vand.u32 $0xFFFFFFF0, v6  }
0x2d: {  	v5 =	vor.u32 v5, v6  }
0x2e: {  	v6 =	vperm.xlane v5, v2;
	_ =	sdelay $0x1  }
0x2f: {  	v5 =	vperm.xlane v5, v4;
	v6 =	vadd.s32 v3, v6;
	_ =	sdelay $0x1  }
0x30: {  	v5 =	vadd.s32 v3, v5;
	_ =	sdelay $0x2  }
0x31: {  	[tilespmem:s12], [sflag:$0x1] =	stream.indirect_vreg.gather [hbm4b:s3+s2], $0x80, v6, vm0, $0xb8;
	[tilespmem:$0x4080] =	vst v63  }
0x32: {  	_ = 	snop  }
0x33: {  	[tilespmem:s13], [sflag:$0x1] =	stream.indirect_vreg.gather [hbm4b:s3+s2], $0x80, v5, vm0, $0xb8;
	[tilespmem:$0x4080] =	vst v63  }
0x34: {  	v5 =	vld [tilespmem:$0x30];
	_ =	sdelay $0x4  }
0x35: {  	v6 =	vshll.u32 v5, $0x1  }
0x36: {  	v5 =	vand.u32 $0x7, v5;
	v6 =	vand.u32 $0xFFFFFFF0, v6  }
0x37: {  	v5 =	vor.u32 v5, v6  }
0x38: {  	v6 =	vperm.xlane v5, v2;
	_ =	sdelay $0x1  }
0x39: {  	v5 =	vperm.xlane v5, v4;
	v6 =	vadd.s32 v3, v6;
	_ =	sdelay $0x1  }
0x3a: {  	v5 =	vadd.s32 v3, v5;
	_ =	sdelay $0x2  }
0x3b: {  	[tilespmem:s14], [sflag:$0x1] =	stream.indirect_vreg.gather [hbm4b:s3+s2], $0x80, v6, vm0, $0xb8;
	[tilespmem:$0x4080] =	vst v63  }
0x3c: {  	_ = 	snop  }
0x3d: {  	[tilespmem:s15], [sflag:$0x1] =	stream.indirect_vreg.gather [hbm4b:s3+s2], $0x80, v5, vm0, $0xb8;
	[tilespmem:$0x4080] =	vst v63  }
0x3e: {  	_ =	swait.ge [sflag:s16], $0x4000  }
0x3f: {  	p0 =	sne.s32 s6, $0x1;
	[sflag:s16] =	ssyncset.done $0x0  }
.Ltmp0:
0x40: {  	[sflag:s16] =	ssyncadd.s32 $0xFFFFC000;
	(pc) =	sbr.rel @p0 .LBB2_1-.Ltmp0, $4  }
0x41: {  	[hbm4b:s5+s2] =	stream.linear.scatter [tilespmem:s8], [sflag:$0x2], $0x4000, $0x38;
	[tilespmem:$0x4080] =	vst v63  }
0x42: {  	_ =	swait.ge [sflag:s7], $0x4000  }
0x43: {  	[sflag:s7] =	ssyncset.done $0x0  }
0x44: {  	s6 =	sadd.s32 $0xFFFFFFFF, s6;
	[sflag:s7] =	ssyncadd.s32 $0xFFFFC000  }
0x45: {  	_ =	sfence.sel $0x180000  }
0x46: {  	[bflag:$0x0] =	sbarrier.arrive $0xFFFF  }
0x47: {  	p0 =	sne.s32 s1, $0x0;
	_ =	strace $0x90000047  }
0x48: {  	s0 =	sadd.s32 @!p0 $0x100000, s0;
	[bflag:$0x2] =	sbarrier.arrive $0xFFFF  }
0x49: {  	[sflag:s0] =	ssyncadd.tile.s32 @!p0 $0x1;
	_ =	shalt  }
.Lfunc_end2:
_tile_overlayer_lowered:
.L_overlay_start_2:
0x4a: {  	(tag) =	ssettag $0x2  }
0x4b: {  	s0 =	rddreg [dreg:$0x0];
	s2 =	stileid.u32  }
0x4c: {  	s1 =	rddreg [dreg:$0x1];
	p0 =	sne.s32 s2, $0x0  }
0x4d: {  	s3 =	rddreg [dreg:$0x2];
	[bflag:$0x3] =	sbarrier.arrive $0xFFFF;
	s2 =	simm.s32 @!p0 $0x1C02  }
0x4e: {  	[timem:s3], [sflag:s2] =	dma.local @!p0 [hbm:s0], s1  }
0x4f: {  	s0 =	simm.s32 @!p0 $0x2  }
0x50: {  	_ =	swait.ge @!p0 [sflag:s0], s1  }
0x51: {  	s1 =	ssub.s32 @!p0 $0x0, s1;
	[sflag:s0] =	ssyncset.done @!p0 $0x0  }
0x52: {  	[sflag:s0] =	ssyncadd.s32 @!p0 s1  }
0x53: {  	[bflag:$0x3] =	sbarrier.arrive $0xFFFF  }
0x54: {  	_ =	shalt  }

</sc_bundles>
